<compile_context>
chip_gen: v7x
topology: tpu7x:2x2x1
jax: 0.10.2.dev20260603
libtpu: 0.0.44.dev20260713+nightly
codegen_flags: <defaults>
</compile_context>

<pallas_src>
import jax
import jax.numpy as jnp
from jax import lax
from jax.experimental import pallas as pl
from jax.experimental.pallas import tpu as pltpu
from jax.experimental.pallas import tpu_sc as plsc

_EA_ROWS = 320000
_EA_CHUNK = 1000

_SC_MESH = plsc.VectorSubcoreMesh(core_axis_name="c", subcore_axis_name="s")
_NW = _SC_MESH.num_cores * _SC_MESH.num_subcores
_ROWS_PER_W = _EA_ROWS // _NW


def _ea_sc_body(ea_hbm, ea_out, rows_v):
    wid = lax.axis_index("s") * _SC_MESH.num_cores + lax.axis_index("c")
    base = wid * _ROWS_PER_W
    for k in range(_ROWS_PER_W // _EA_CHUNK):
        sl = pl.ds(base + k * _EA_CHUNK, _EA_CHUNK)
        pltpu.sync_copy(ea_hbm.at[sl, :], rows_v)
        pltpu.sync_copy(rows_v, ea_out.at[sl, :])


def _x_tc_body(x_hbm, x_out, x_vmem, ld, st):
    lcopy = pltpu.make_async_copy(x_hbm, x_vmem, ld)
    lcopy.start()
    lcopy.wait()
    scopy = pltpu.make_async_copy(x_vmem, x_out, st)
    scopy.start()
    scopy.wait()


def kernel(x, edge_index, edge_attr):
    del edge_index
    ea_out = pl.kernel(
        _ea_sc_body,
        out_type=jax.ShapeDtypeStruct((_EA_ROWS, 16), jnp.float32),
        mesh=_SC_MESH,
        scratch_types=[pltpu.VMEM((_EA_CHUNK, 16), jnp.float32)],
    )(edge_attr)
    x_out = pl.pallas_call(
        _x_tc_body,
        in_specs=[pl.BlockSpec(memory_space=pl.ANY)],
        out_specs=pl.BlockSpec(memory_space=pl.ANY),
        out_shape=jax.ShapeDtypeStruct((10000, 128), jnp.float32),
        scratch_shapes=[
            pltpu.VMEM((10000, 128), jnp.float32),
            pltpu.SemaphoreType.DMA,
            pltpu.SemaphoreType.DMA,
        ],
    )(x)
    return (x_out, ea_out)

# --- scband reference (transcript-rebuilt; emitter-appended) ---
"""Pipeline reference for scband-geomol-meta-layer-34969623724429 (READ-ONLY COPY).

The authoritative reference and input builder live on the scoring server;
editing this copy changes nothing except your own understanding.
"""

import jax, jax.numpy as jnp
import numpy as np

N_NODES = 10000
N_EDGES = 320000
D_FEAT = 128
D_EDGE = 16


def setup_inputs(seed: int = 0) -> dict:
    key = jax.random.key(seed)
    k1, k2, k3 = jax.random.split(key, 3)
    x = jax.random.normal(k1, (N_NODES, D_FEAT), dtype=jnp.float32)
    edge_index = jax.random.randint(k2, (2, N_EDGES), 0, N_NODES, dtype=jnp.int32)
    edge_attr = jax.random.normal(k3, (N_EDGES, D_EDGE), dtype=jnp.float32)
    return {"x": x, "edge_index": edge_index, "edge_attr": edge_attr}


def reference(x, edge_index, edge_attr):
    # GeomolMetaLayer with edge_model=None and node_model=None (the only
    # JSON-representable constructor configuration): both model branches are
    # skipped, so forward is an identity passthrough of (x, edge_attr).
    # edge_eps / node_eps parameters are never touched in this configuration.
    return (x, edge_attr)

if __name__ == "__main__":
    import jax
    _d = setup_inputs()
    print(jax.jit(kernel)(*tuple(_d.values())))

</pallas_src>

<mosaic_0001>
#map = affine_map<(d0, d1) -> (0, 0)>
module attributes {stable_mosaic.version = 14 : i64} {
  func.func @_ea_sc_body(%arg0: i32, %arg1: i32, %arg2: memref<320000x16xf32, #tpu.memory_space<hbm>>, %arg3: memref<320000x16xf32, #tpu.memory_space<hbm>>, %arg4: memref<1000x16xf32, #tpu.memory_space<vmem>>) attributes {dimension_semantics = [#tpu.dimension_semantics<core_parallel>, #tpu.dimension_semantics<subcore_parallel>], iteration_bounds = array<i64: 2, 16>, scalar_prefetch = 0 : i64, scratch_operands = 1 : i64, tpu.core_type = #tpu.core_type<sc_vector_subcore>, window_params = [{transform_indices = #map}, {transform_indices = #map}]} {
    %mul3A = arith.constant 2 : i32
    %mul3A_0 = arith.muli %arg1, %mul3A : i32
    %add3A = arith.addi %mul3A_0, %arg0 : i32
    %mul3A_1 = arith.constant 10000 : i32
    %mul3A_2 = arith.muli %add3A, %mul3A_1 : i32
    %add3A_3 = arith.constant 0 : i32
    %add3A_4 = arith.addi %mul3A_2, %add3A_3 : i32
    "tpu.region"() ({
      %run_scoped3A = tpu.sem_alloc : memref<!tpu.dma_semaphore, #tpu.memory_space<semaphore_mem>>
      %dma_start3A = arith.constant 0 : i32
      %dma_start3A_23 = tpu.memref_slice %arg2[%add3A_4, %dma_start3A] : memref<320000x16xf32, #tpu.memory_space<hbm>> -> memref<1000x16xf32, #tpu.memory_space<hbm>>
      %dma_start3A_24 = arith.constant 0 : i32
      %dma_start3A_25 = tpu.memref_slice %arg2[%add3A_4, %dma_start3A_24] : memref<320000x16xf32, #tpu.memory_space<hbm>> -> memref<1000x16xf32, #tpu.memory_space<hbm>>
      tpu.enqueue_dma source(%dma_start3A_25 : memref<1000x16xf32, #tpu.memory_space<hbm>>) target(%arg4 : memref<1000x16xf32, #tpu.memory_space<vmem>>) target_semaphore(%run_scoped3A : memref<!tpu.dma_semaphore, #tpu.memory_space<semaphore_mem>>)
      %dma_wait3A = arith.constant 0 : i32
      %dma_wait3A_26 = tpu.memref_slice %arg2[%add3A_4, %dma_wait3A] : memref<320000x16xf32, #tpu.memory_space<hbm>> -> memref<1000x16xf32, #tpu.memory_space<hbm>>
      %dma_wait3A_27 = arith.constant 0 : i32
      %dma_wait3A_28 = tpu.memref_slice %arg2[%add3A_4, %dma_wait3A_27] : memref<320000x16xf32, #tpu.memory_space<hbm>> -> memref<1000x16xf32, #tpu.memory_space<hbm>>
      tpu.wait_dma2 semaphore(%run_scoped3A : memref<!tpu.dma_semaphore, #tpu.memory_space<semaphore_mem>>) src(%dma_wait3A_28 : memref<1000x16xf32, #tpu.memory_space<hbm>>) dst(%arg4 : memref<1000x16xf32, #tpu.memory_space<vmem>>)
      tpu.yield
    }) : () -> ()
    "tpu.region"() ({
      %run_scoped3A = tpu.sem_alloc : memref<!tpu.dma_semaphore, #tpu.memory_space<semaphore_mem>>
      %dma_start3A = arith.constant 0 : i32
      %dma_start3A_23 = tpu.memref_slice %arg3[%add3A_4, %dma_start3A] : memref<320000x16xf32, #tpu.memory_space<hbm>> -> memref<1000x16xf32, #tpu.memory_space<hbm>>
      %dma_start3A_24 = arith.constant 0 : i32
      %dma_start3A_25 = tpu.memref_slice %arg3[%add3A_4, %dma_start3A_24] : memref<320000x16xf32, #tpu.memory_space<hbm>> -> memref<1000x16xf32, #tpu.memory_space<hbm>>
      tpu.enqueue_dma source(%arg4 : memref<1000x16xf32, #tpu.memory_space<vmem>>) target(%dma_start3A_25 : memref<1000x16xf32, #tpu.memory_space<hbm>>) target_semaphore(%run_scoped3A : memref<!tpu.dma_semaphore, #tpu.memory_space<semaphore_mem>>)
      %dma_wait3A = arith.constant 0 : i32
      %dma_wait3A_26 = tpu.memref_slice %arg3[%add3A_4, %dma_wait3A] : memref<320000x16xf32, #tpu.memory_space<hbm>> -> memref<1000x16xf32, #tpu.memory_space<hbm>>
      %dma_wait3A_27 = arith.constant 0 : i32
      %dma_wait3A_28 = tpu.memref_slice %arg3[%add3A_4, %dma_wait3A_27] : memref<320000x16xf32, #tpu.memory_space<hbm>> -> memref<1000x16xf32, #tpu.memory_space<hbm>>
      tpu.wait_dma2 semaphore(%run_scoped3A : memref<!tpu.dma_semaphore, #tpu.memory_space<semaphore_mem>>) src(%arg4 : memref<1000x16xf32, #tpu.memory_space<vmem>>) dst(%dma_wait3A_28 : memref<1000x16xf32, #tpu.memory_space<hbm>>)
      tpu.yield
    }) : () -> ()
    %add3A_5 = arith.constant 1000 : i32
    %add3A_6 = arith.addi %mul3A_2, %add3A_5 : i32
    "tpu.region"() ({
      %run_scoped3A = tpu.sem_alloc : memref<!tpu.dma_semaphore, #tpu.memory_space<semaphore_mem>>
      %dma_start3A = arith.constant 0 : i32
      %dma_start3A_23 = tpu.memref_slice %arg2[%add3A_6, %dma_start3A] : memref<320000x16xf32, #tpu.memory_space<hbm>> -> memref<1000x16xf32, #tpu.memory_space<hbm>>
      %dma_start3A_24 = arith.constant 0 : i32
      %dma_start3A_25 = tpu.memref_slice %arg2[%add3A_6, %dma_start3A_24] : memref<320000x16xf32, #tpu.memory_space<hbm>> -> memref<1000x16xf32, #tpu.memory_space<hbm>>
      tpu.enqueue_dma source(%dma_start3A_25 : memref<1000x16xf32, #tpu.memory_space<hbm>>) target(%arg4 : memref<1000x16xf32, #tpu.memory_space<vmem>>) target_semaphore(%run_scoped3A : memref<!tpu.dma_semaphore, #tpu.memory_space<semaphore_mem>>)
      %dma_wait3A = arith.constant 0 : i32
      %dma_wait3A_26 = tpu.memref_slice %arg2[%add3A_6, %dma_wait3A] : memref<320000x16xf32, #tpu.memory_space<hbm>> -> memref<1000x16xf32, #tpu.memory_space<hbm>>
      %dma_wait3A_27 = arith.constant 0 : i32
      %dma_wait3A_28 = tpu.memref_slice %arg2[%add3A_6, %dma_wait3A_27] : memref<320000x16xf32, #tpu.memory_space<hbm>> -> memref<1000x16xf32, #tpu.memory_space<hbm>>
      tpu.wait_dma2 semaphore(%run_scoped3A : memref<!tpu.dma_semaphore, #tpu.memory_space<semaphore_mem>>) src(%dma_wait3A_28 : memref<1000x16xf32, #tpu.memory_space<hbm>>) dst(%arg4 : memref<1000x16xf32, #tpu.memory_space<vmem>>)
      tpu.yield
    }) : () -> ()
    "tpu.region"() ({
      %run_scoped3A = tpu.sem_alloc : memref<!tpu.dma_semaphore, #tpu.memory_space<semaphore_mem>>
      %dma_start3A = arith.constant 0 : i32
      %dma_start3A_23 = tpu.memref_slice %arg3[%add3A_6, %dma_start3A] : memref<320000x16xf32, #tpu.memory_space<hbm>> -> memref<1000x16xf32, #tpu.memory_space<hbm>>
      %dma_start3A_24 = arith.constant 0 : i32
      %dma_start3A_25 = tpu.memref_slice %arg3[%add3A_6, %dma_start3A_24] : memref<320000x16xf32, #tpu.memory_space<hbm>> -> memref<1000x16xf32, #tpu.memory_space<hbm>>
      tpu.enqueue_dma source(%arg4 : memref<1000x16xf32, #tpu.memory_space<vmem>>) target(%dma_start3A_25 : memref<1000x16xf32, #tpu.memory_space<hbm>>) target_semaphore(%run_scoped3A : memref<!tpu.dma_semaphore, #tpu.memory_space<semaphore_mem>>)
      %dma_wait3A = arith.constant 0 : i32
      %dma_wait3A_26 = tpu.memref_slice %arg3[%add3A_6, %dma_wait3A] : memref<320000x16xf32, #tpu.memory_space<hbm>> -> memref<1000x16xf32, #tpu.memory_space<hbm>>
      %dma_wait3A_27 = arith.constant 0 : i32
      %dma_wait3A_28 = tpu.memref_slice %arg3[%add3A_6, %dma_wait3A_27] : memref<320000x16xf32, #tpu.memory_space<hbm>> -> memref<1000x16xf32, #tpu.memory_space<hbm>>
      tpu.wait_dma2 semaphore(%run_scoped3A : memref<!tpu.dma_semaphore, #tpu.memory_space<semaphore_mem>>) src(%arg4 : memref<1000x16xf32, #tpu.memory_space<vmem>>) dst(%dma_wait3A_28 : memref<1000x16xf32, #tpu.memory_space<hbm>>)
      tpu.yield
    }) : () -> ()
    %add3A_7 = arith.constant 2000 : i32
    %add3A_8 = arith.addi %mul3A_2, %add3A_7 : i32
    "tpu.region"() ({
      %run_scoped3A = tpu.sem_alloc : memref<!tpu.dma_semaphore, #tpu.memory_space<semaphore_mem>>
      %dma_start3A = arith.constant 0 : i32
      %dma_start3A_23 = tpu.memref_slice %arg2[%add3A_8, %dma_start3A] : memref<320000x16xf32, #tpu.memory_space<hbm>> -> memref<1000x16xf32, #tpu.memory_space<hbm>>
      %dma_start3A_24 = arith.constant 0 : i32
      %dma_start3A_25 = tpu.memref_slice %arg2[%add3A_8, %dma_start3A_24] : memref<320000x16xf32, #tpu.memory_space<hbm>> -> memref<1000x16xf32, #tpu.memory_space<hbm>>
      tpu.enqueue_dma source(%dma_start3A_25 : memref<1000x16xf32, #tpu.memory_space<hbm>>) target(%arg4 : memref<1000x16xf32, #tpu.memory_space<vmem>>) target_semaphore(%run_scoped3A : memref<!tpu.dma_semaphore, #tpu.memory_space<semaphore_mem>>)
      %dma_wait3A = arith.constant 0 : i32
      %dma_wait3A_26 = tpu.memref_slice %arg2[%add3A_8, %dma_wait3A] : memref<320000x16xf32, #tpu.memory_space<hbm>> -> memref<1000x16xf32, #tpu.memory_space<hbm>>
      %dma_wait3A_27 = arith.constant 0 : i32
      %dma_wait3A_28 = tpu.memref_slice %arg2[%add3A_8, %dma_wait3A_27] : memref<320000x16xf32, #tpu.memory_space<hbm>> -> memref<1000x16xf32, #tpu.memory_space<hbm>>
      tpu.wait_dma2 semaphore(%run_scoped3A : memref<!tpu.dma_semaphore, #tpu.memory_space<semaphore_mem>>) src(%dma_wait3A_28 : memref<1000x16xf32, #tpu.memory_space<hbm>>) dst(%arg4 : memref<1000x16xf32, #tpu.memory_space<vmem>>)
      tpu.yield
    }) : () -> ()
    "tpu.region"() ({
      %run_scoped3A = tpu.sem_alloc : memref<!tpu.dma_semaphore, #tpu.memory_space<semaphore_mem>>
      %dma_start3A = arith.constant 0 : i32
      %dma_start3A_23 = tpu.memref_slice %arg3[%add3A_8, %dma_start3A] : memref<320000x16xf32, #tpu.memory_space<hbm>> -> memref<1000x16xf32, #tpu.memory_space<hbm>>
      %dma_start3A_24 = arith.constant 0 : i32
      %dma_start3A_25 = tpu.memref_slice %arg3[%add3A_8, %dma_start3A_24] : memref<320000x16xf32, #tpu.memory_space<hbm>> -> memref<1000x16xf32, #tpu.memory_space<hbm>>
      tpu.enqueue_dma source(%arg4 : memref<1000x16xf32, #tpu.memory_space<vmem>>) target(%dma_start3A_25 : memref<1000x16xf32, #tpu.memory_space<hbm>>) target_semaphore(%run_scoped3A : memref<!tpu.dma_semaphore, #tpu.memory_space<semaphore_mem>>)
      %dma_wait3A = arith.constant 0 : i32
      %dma_wait3A_26 = tpu.memref_slice %arg3[%add3A_8, %dma_wait3A] : memref<320000x16xf32, #tpu.memory_space<hbm>> -> memref<1000x16xf32, #tpu.memory_space<hbm>>
      %dma_wait3A_27 = arith.constant 0 : i32
      %dma_wait3A_28 = tpu.memref_slice %arg3[%add3A_8, %dma_wait3A_27] : memref<320000x16xf32, #tpu.memory_space<hbm>> -> memref<1000x16xf32, #tpu.memory_space<hbm>>
      tpu.wait_dma2 semaphore(%run_scoped3A : memref<!tpu.dma_semaphore, #tpu.memory_space<semaphore_mem>>) src(%arg4 : memref<1000x16xf32, #tpu.memory_space<vmem>>) dst(%dma_wait3A_28 : memref<1000x16xf32, #tpu.memory_space<hbm>>)
      tpu.yield
    }) : () -> ()
    %add3A_9 = arith.constant 3000 : i32
    %add3A_10 = arith.addi %mul3A_2, %add3A_9 : i32
    "tpu.region"() ({
      %run_scoped3A = tpu.sem_alloc : memref<!tpu.dma_semaphore, #tpu.memory_space<semaphore_mem>>
      %dma_start3A = arith.constant 0 : i32
      %dma_start3A_23 = tpu.memref_slice %arg2[%add3A_10, %dma_start3A] : memref<320000x16xf32, #tpu.memory_space<hbm>> -> memref<1000x16xf32, #tpu.memory_space<hbm>>
      %dma_start3A_24 = arith.constant 0 : i32
      %dma_start3A_25 = tpu.memref_slice %arg2[%add3A_10, %dma_start3A_24] : memref<320000x16xf32, #tpu.memory_space<hbm>> -> memref<1000x16xf32, #tpu.memory_space<hbm>>
      tpu.enqueue_dma source(%dma_start3A_25 : memref<1000x16xf32, #tpu.memory_space<hbm>>) target(%arg4 : memref<1000x16xf32, #tpu.memory_space<vmem>>) target_semaphore(%run_scoped3A : memref<!tpu.dma_semaphore, #tpu.memory_space<semaphore_mem>>)
      %dma_wait3A = arith.constant 0 : i32
      %dma_wait3A_26 = tpu.memref_slice %arg2[%add3A_10, %dma_wait3A] : memref<320000x16xf32, #tpu.memory_space<hbm>> -> memref<1000x16xf32, #tpu.memory_space<hbm>>
      %dma_wait3A_27 = arith.constant 0 : i32
      %dma_wait3A_28 = tpu.memref_slice %arg2[%add3A_10, %dma_wait3A_27] : memref<320000x16xf32, #tpu.memory_space<hbm>> -> memref<1000x16xf32, #tpu.memory_space<hbm>>
      tpu.wait_dma2 semaphore(%run_scoped3A : memref<!tpu.dma_semaphore, #tpu.memory_space<semaphore_mem>>) src(%dma_wait3A_28 : memref<1000x16xf32, #tpu.memory_space<hbm>>) dst(%arg4 : memref<1000x16xf32, #tpu.memory_space<vmem>>)
      tpu.yield
    }) : () -> ()
    "tpu.region"() ({
      %run_scoped3A = tpu.sem_alloc : memref<!tpu.dma_semaphore, #tpu.memory_space<semaphore_mem>>
      %dma_start3A = arith.constant 0 : i32
      %dma_start3A_23 = tpu.memref_slice %arg3[%add3A_10, %dma_start3A] : memref<320000x16xf32, #tpu.memory_space<hbm>> -> memref<1000x16xf32, #tpu.memory_space<hbm>>
      %dma_start3A_24 = arith.constant 0 : i32
      %dma_start3A_25 = tpu.memref_slice %arg3[%add3A_10, %dma_start3A_24] : memref<320000x16xf32, #tpu.memory_space<hbm>> -> memref<1000x16xf32, #tpu.memory_space<hbm>>
      tpu.enqueue_dma source(%arg4 : memref<1000x16xf32, #tpu.memory_space<vmem>>) target(%dma_start3A_25 : memref<1000x16xf32, #tpu.memory_space<hbm>>) target_semaphore(%run_scoped3A : memref<!tpu.dma_semaphore, #tpu.memory_space<semaphore_mem>>)
      %dma_wait3A = arith.constant 0 : i32
      %dma_wait3A_26 = tpu.memref_slice %arg3[%add3A_10, %dma_wait3A] : memref<320000x16xf32, #tpu.memory_space<hbm>> -> memref<1000x16xf32, #tpu.memory_space<hbm>>
      %dma_wait3A_27 = arith.constant 0 : i32
      %dma_wait3A_28 = tpu.memref_slice %arg3[%add3A_10, %dma_wait3A_27] : memref<320000x16xf32, #tpu.memory_space<hbm>> -> memref<1000x16xf32, #tpu.memory_space<hbm>>
      tpu.wait_dma2 semaphore(%run_scoped3A : memref<!tpu.dma_semaphore, #tpu.memory_space<semaphore_mem>>) src(%arg4 : memref<1000x16xf32, #tpu.memory_space<vmem>>) dst(%dma_wait3A_28 : memref<1000x16xf32, #tpu.memory_space<hbm>>)
      tpu.yield
    }) : () -> ()
    %add3A_11 = arith.constant 4000 : i32
    %add3A_12 = arith.addi %mul3A_2, %add3A_11 : i32
    "tpu.region"() ({
      %run_scoped3A = tpu.sem_alloc : memref<!tpu.dma_semaphore, #tpu.memory_space<semaphore_mem>>
      %dma_start3A = arith.constant 0 : i32
      %dma_start3A_23 = tpu.memref_slice %arg2[%add3A_12, %dma_start3A] : memref<320000x16xf32, #tpu.memory_space<hbm>> -> memref<1000x16xf32, #tpu.memory_space<hbm>>
      %dma_start3A_24 = arith.constant 0 : i32
      %dma_start3A_25 = tpu.memref_slice %arg2[%add3A_12, %dma_start3A_24] : memref<320000x16xf32, #tpu.memory_space<hbm>> -> memref<1000x16xf32, #tpu.memory_space<hbm>>
      tpu.enqueue_dma source(%dma_start3A_25 : memref<1000x16xf32, #tpu.memory_space<hbm>>) target(%arg4 : memref<1000x16xf32, #tpu.memory_space<vmem>>) target_semaphore(%run_scoped3A : memref<!tpu.dma_semaphore, #tpu.memory_space<semaphore_mem>>)
      %dma_wait3A = arith.constant 0 : i32
      %dma_wait3A_26 = tpu.memref_slice %arg2[%add3A_12, %dma_wait3A] : memref<320000x16xf32, #tpu.memory_space<hbm>> -> memref<1000x16xf32, #tpu.memory_space<hbm>>
      %dma_wait3A_27 = arith.constant 0 : i32
      %dma_wait3A_28 = tpu.memref_slice %arg2[%add3A_12, %dma_wait3A_27] : memref<320000x16xf32, #tpu.memory_space<hbm>> -> memref<1000x16xf32, #tpu.memory_space<hbm>>
      tpu.wait_dma2 semaphore(%run_scoped3A : memref<!tpu.dma_semaphore, #tpu.memory_space<semaphore_mem>>) src(%dma_wait3A_28 : memref<1000x16xf32, #tpu.memory_space<hbm>>) dst(%arg4 : memref<1000x16xf32, #tpu.memory_space<vmem>>)
      tpu.yield
    }) : () -> ()
    "tpu.region"() ({
      %run_scoped3A = tpu.sem_alloc : memref<!tpu.dma_semaphore, #tpu.memory_space<semaphore_mem>>
      %dma_start3A = arith.constant 0 : i32
      %dma_start3A_23 = tpu.memref_slice %arg3[%add3A_12, %dma_start3A] : memref<320000x16xf32, #tpu.memory_space<hbm>> -> memref<1000x16xf32, #tpu.memory_space<hbm>>
      %dma_start3A_24 = arith.constant 0 : i32
      %dma_start3A_25 = tpu.memref_slice %arg3[%add3A_12, %dma_start3A_24] : memref<320000x16xf32, #tpu.memory_space<hbm>> -> memref<1000x16xf32, #tpu.memory_space<hbm>>
      tpu.enqueue_dma source(%arg4 : memref<1000x16xf32, #tpu.memory_space<vmem>>) target(%dma_start3A_25 : memref<1000x16xf32, #tpu.memory_space<hbm>>) target_semaphore(%run_scoped3A : memref<!tpu.dma_semaphore, #tpu.memory_space<semaphore_mem>>)
      %dma_wait3A = arith.constant 0 : i32
      %dma_wait3A_26 = tpu.memref_slice %arg3[%add3A_12, %dma_wait3A] : memref<320000x16xf32, #tpu.memory_space<hbm>> -> memref<1000x16xf32, #tpu.memory_space<hbm>>
      %dma_wait3A_27 = arith.constant 0 : i32
      %dma_wait3A_28 = tpu.memref_slice %arg3[%add3A_12, %dma_wait3A_27] : memref<320000x16xf32, #tpu.memory_space<hbm>> -> memref<1000x16xf32, #tpu.memory_space<hbm>>
      tpu.wait_dma2 semaphore(%run_scoped3A : memref<!tpu.dma_semaphore, #tpu.memory_space<semaphore_mem>>) src(%arg4 : memref<1000x16xf32, #tpu.memory_space<vmem>>) dst(%dma_wait3A_28 : memref<1000x16xf32, #tpu.memory_space<hbm>>)
      tpu.yield
    }) : () -> ()
    %add3A_13 = arith.constant 5000 : i32
    %add3A_14 = arith.addi %mul3A_2, %add3A_13 : i32
    "tpu.region"() ({
      %run_scoped3A = tpu.sem_alloc : memref<!tpu.dma_semaphore, #tpu.memory_space<semaphore_mem>>
      %dma_start3A = arith.constant 0 : i32
      %dma_start3A_23 = tpu.memref_slice %arg2[%add3A_14, %dma_start3A] : memref<320000x16xf32, #tpu.memory_space<hbm>> -> memref<1000x16xf32, #tpu.memory_space<hbm>>
      %dma_start3A_24 = arith.constant 0 : i32
      %dma_start3A_25 = tpu.memref_slice %arg2[%add3A_14, %dma_start3A_24] : memref<320000x16xf32, #tpu.memory_space<hbm>> -> memref<1000x16xf32, #tpu.memory_space<hbm>>
      tpu.enqueue_dma source(%dma_start3A_25 : memref<1000x16xf32, #tpu.memory_space<hbm>>) target(%arg4 : memref<1000x16xf32, #tpu.memory_space<vmem>>) target_semaphore(%run_scoped3A : memref<!tpu.dma_semaphore, #tpu.memory_space<semaphore_mem>>)
      %dma_wait3A = arith.constant 0 : i32
      %dma_wait3A_26 = tpu.memref_slice %arg2[%add3A_14, %dma_wait3A] : memref<320000x16xf32, #tpu.memory_space<hbm>> -> memref<1000x16xf32, #tpu.memory_space<hbm>>
      %dma_wait3A_27 = arith.constant 0 : i32
      %dma_wait3A_28 = tpu.memref_slice %arg2[%add3A_14, %dma_wait3A_27] : memref<320000x16xf32, #tpu.memory_space<hbm>> -> memref<1000x16xf32, #tpu.memory_space<hbm>>
      tpu.wait_dma2 semaphore(%run_scoped3A : memref<!tpu.dma_semaphore, #tpu.memory_space<semaphore_mem>>) src(%dma_wait3A_28 : memref<1000x16xf32, #tpu.memory_space<hbm>>) dst(%arg4 : memref<1000x16xf32, #tpu.memory_space<vmem>>)
      tpu.yield
    }) : () -> ()
    "tpu.region"() ({
      %run_scoped3A = tpu.sem_alloc : memref<!tpu.dma_semaphore, #tpu.memory_space<semaphore_mem>>
      %dma_start3A = arith.constant 0 : i32
      %dma_start3A_23 = tpu.memref_slice %arg3[%add3A_14, %dma_start3A] : memref<320000x16xf32, #tpu.memory_space<hbm>> -> memref<1000x16xf32, #tpu.memory_space<hbm>>
      %dma_start3A_24 = arith.constant 0 : i32
      %dma_start3A_25 = tpu.memref_slice %arg3[%add3A_14, %dma_start3A_24] : memref<320000x16xf32, #tpu.memory_space<hbm>> -> memref<1000x16xf32, #tpu.memory_space<hbm>>
      tpu.enqueue_dma source(%arg4 : memref<1000x16xf32, #tpu.memory_space<vmem>>) target(%dma_start3A_25 : memref<1000x16xf32, #tpu.memory_space<hbm>>) target_semaphore(%run_scoped3A : memref<!tpu.dma_semaphore, #tpu.memory_space<semaphore_mem>>)
      %dma_wait3A = arith.constant 0 : i32
      %dma_wait3A_26 = tpu.memref_slice %arg3[%add3A_14, %dma_wait3A] : memref<320000x16xf32, #tpu.memory_space<hbm>> -> memref<1000x16xf32, #tpu.memory_space<hbm>>
      %dma_wait3A_27 = arith.constant 0 : i32
      %dma_wait3A_28 = tpu.memref_slice %arg3[%add3A_14, %dma_wait3A_27] : memref<320000x16xf32, #tpu.memory_space<hbm>> -> memref<1000x16xf32, #tpu.memory_space<hbm>>
      tpu.wait_dma2 semaphore(%run_scoped3A : memref<!tpu.dma_semaphore, #tpu.memory_space<semaphore_mem>>) src(%arg4 : memref<1000x16xf32, #tpu.memory_space<vmem>>) dst(%dma_wait3A_28 : memref<1000x16xf32, #tpu.memory_space<hbm>>)
      tpu.yield
    }) : () -> ()
    %add3A_15 = arith.constant 6000 : i32
    %add3A_16 = arith.addi %mul3A_2, %add3A_15 : i32
    "tpu.region"() ({
      %run_scoped3A = tpu.sem_alloc : memref<!tpu.dma_semaphore, #tpu.memory_space<semaphore_mem>>
      %dma_start3A = arith.constant 0 : i32
      %dma_start3A_23 = tpu.memref_slice %arg2[%add3A_16, %dma_start3A] : memref<320000x16xf32, #tpu.memory_space<hbm>> -> memref<1000x16xf32, #tpu.memory_space<hbm>>
      %dma_start3A_24 = arith.constant 0 : i32
      %dma_start3A_25 = tpu.memref_slice %arg2[%add3A_16, %dma_start3A_24] : memref<320000x16xf32, #tpu.memory_space<hbm>> -> memref<1000x16xf32, #tpu.memory_space<hbm>>
      tpu.enqueue_dma source(%dma_start3A_25 : memref<1000x16xf32, #tpu.memory_space<hbm>>) target(%arg4 : memref<1000x16xf32, #tpu.memory_space<vmem>>) target_semaphore(%run_scoped3A : memref<!tpu.dma_semaphore, #tpu.memory_space<semaphore_mem>>)
      %dma_wait3A = arith.constant 0 : i32
      %dma_wait3A_26 = tpu.memref_slice %arg2[%add3A_16, %dma_wait3A] : memref<320000x16xf32, #tpu.memory_space<hbm>> -> memref<1000x16xf32, #tpu.memory_space<hbm>>
      %dma_wait3A_27 = arith.constant 0 : i32
      %dma_wait3A_28 = tpu.memref_slice %arg2[%add3A_16, %dma_wait3A_27] : memref<320000x16xf32, #tpu.memory_space<hbm>> -> memref<1000x16xf32, #tpu.memory_space<hbm>>
      tpu.wait_dma2 semaphore(%run_scoped3A : memref<!tpu.dma_semaphore, #tpu.memory_space<semaphore_mem>>) src(%dma_wait3A_28 : memref<1000x16xf32, #tpu.memory_space<hbm>>) dst(%arg4 : memref<1000x16xf32, #tpu.memory_space<vmem>>)
      tpu.yield
    }) : () -> ()
    "tpu.region"() ({
      %run_scoped3A = tpu.sem_alloc : memref<!tpu.dma_semaphore, #tpu.memory_space<semaphore_mem>>
      %dma_start3A = arith.constant 0 : i32
      %dma_start3A_23 = tpu.memref_slice %arg3[%add3A_16, %dma_start3A] : memref<320000x16xf32, #tpu.memory_space<hbm>> -> memref<1000x16xf32, #tpu.memory_space<hbm>>
      %dma_start3A_24 = arith.constant 0 : i32
      %dma_start3A_25 = tpu.memref_slice %arg3[%add3A_16, %dma_start3A_24] : memref<320000x16xf32, #tpu.memory_space<hbm>> -> memref<1000x16xf32, #tpu.memory_space<hbm>>
      tpu.enqueue_dma source(%arg4 : memref<1000x16xf32, #tpu.memory_space<vmem>>) target(%dma_start3A_25 : memref<1000x16xf32, #tpu.memory_space<hbm>>) target_semaphore(%run_scoped3A : memref<!tpu.dma_semaphore, #tpu.memory_space<semaphore_mem>>)
      %dma_wait3A = arith.constant 0 : i32
      %dma_wait3A_26 = tpu.memref_slice %arg3[%add3A_16, %dma_wait3A] : memref<320000x16xf32, #tpu.memory_space<hbm>> -> memref<1000x16xf32, #tpu.memory_space<hbm>>
      %dma_wait3A_27 = arith.constant 0 : i32
      %dma_wait3A_28 = tpu.memref_slice %arg3[%add3A_16, %dma_wait3A_27] : memref<320000x16xf32, #tpu.memory_space<hbm>> -> memref<1000x16xf32, #tpu.memory_space<hbm>>
      tpu.wait_dma2 semaphore(%run_scoped3A : memref<!tpu.dma_semaphore, #tpu.memory_space<semaphore_mem>>) src(%arg4 : memref<1000x16xf32, #tpu.memory_space<vmem>>) dst(%dma_wait3A_28 : memref<1000x16xf32, #tpu.memory_space<hbm>>)
      tpu.yield
    }) : () -> ()
    %add3A_17 = arith.constant 7000 : i32
    %add3A_18 = arith.addi %mul3A_2, %add3A_17 : i32
    "tpu.region"() ({
      %run_scoped3A = tpu.sem_alloc : memref<!tpu.dma_semaphore, #tpu.memory_space<semaphore_mem>>
      %dma_start3A = arith.constant 0 : i32
      %dma_start3A_23 = tpu.memref_slice %arg2[%add3A_18, %dma_start3A] : memref<320000x16xf32, #tpu.memory_space<hbm>> -> memref<1000x16xf32, #tpu.memory_space<hbm>>
      %dma_start3A_24 = arith.constant 0 : i32
      %dma_start3A_25 = tpu.memref_slice %arg2[%add3A_18, %dma_start3A_24] : memref<320000x16xf32, #tpu.memory_space<hbm>> -> memref<1000x16xf32, #tpu.memory_space<hbm>>
      tpu.enqueue_dma source(%dma_start3A_25 : memref<1000x16xf32, #tpu.memory_space<hbm>>) target(%arg4 : memref<1000x16xf32, #tpu.memory_space<vmem>>) target_semaphore(%run_scoped3A : memref<!tpu.dma_semaphore, #tpu.memory_space<semaphore_mem>>)
      %dma_wait3A = arith.constant 0 : i32
      %dma_wait3A_26 = tpu.memref_slice %arg2[%add3A_18, %dma_wait3A] : memref<320000x16xf32, #tpu.memory_space<hbm>> -> memref<1000x16xf32, #tpu.memory_space<hbm>>
      %dma_wait3A_27 = arith.constant 0 : i32
      %dma_wait3A_28 = tpu.memref_slice %arg2[%add3A_18, %dma_wait3A_27] : memref<320000x16xf32, #tpu.memory_space<hbm>> -> memref<1000x16xf32, #tpu.memory_space<hbm>>
      tpu.wait_dma2 semaphore(%run_scoped3A : memref<!tpu.dma_semaphore, #tpu.memory_space<semaphore_mem>>) src(%dma_wait3A_28 : memref<1000x16xf32, #tpu.memory_space<hbm>>) dst(%arg4 : memref<1000x16xf32, #tpu.memory_space<vmem>>)
      tpu.yield
    }) : () -> ()
    "tpu.region"() ({
      %run_scoped3A = tpu.sem_alloc : memref<!tpu.dma_semaphore, #tpu.memory_space<semaphore_mem>>
      %dma_start3A = arith.constant 0 : i32
      %dma_start3A_23 = tpu.memref_slice %arg3[%add3A_18, %dma_start3A] : memref<320000x16xf32, #tpu.memory_space<hbm>> -> memref<1000x16xf32, #tpu.memory_space<hbm>>
      %dma_start3A_24 = arith.constant 0 : i32
      %dma_start3A_25 = tpu.memref_slice %arg3[%add3A_18, %dma_start3A_24] : memref<320000x16xf32, #tpu.memory_space<hbm>> -> memref<1000x16xf32, #tpu.memory_space<hbm>>
      tpu.enqueue_dma source(%arg4 : memref<1000x16xf32, #tpu.memory_space<vmem>>) target(%dma_start3A_25 : memref<1000x16xf32, #tpu.memory_space<hbm>>) target_semaphore(%run_scoped3A : memref<!tpu.dma_semaphore, #tpu.memory_space<semaphore_mem>>)
      %dma_wait3A = arith.constant 0 : i32
      %dma_wait3A_26 = tpu.memref_slice %arg3[%add3A_18, %dma_wait3A] : memref<320000x16xf32, #tpu.memory_space<hbm>> -> memref<1000x16xf32, #tpu.memory_space<hbm>>
      %dma_wait3A_27 = arith.constant 0 : i32
      %dma_wait3A_28 = tpu.memref_slice %arg3[%add3A_18, %dma_wait3A_27] : memref<320000x16xf32, #tpu.memory_space<hbm>> -> memref<1000x16xf32, #tpu.memory_space<hbm>>
      tpu.wait_dma2 semaphore(%run_scoped3A : memref<!tpu.dma_semaphore, #tpu.memory_space<semaphore_mem>>) src(%arg4 : memref<1000x16xf32, #tpu.memory_space<vmem>>) dst(%dma_wait3A_28 : memref<1000x16xf32, #tpu.memory_space<hbm>>)
      tpu.yield
    }) : () -> ()
    %add3A_19 = arith.constant 8000 : i32
    %add3A_20 = arith.addi %mul3A_2, %add3A_19 : i32
    "tpu.region"() ({
      %run_scoped3A = tpu.sem_alloc : memref<!tpu.dma_semaphore, #tpu.memory_space<semaphore_mem>>
      %dma_start3A = arith.constant 0 : i32
      %dma_start3A_23 = tpu.memref_slice %arg2[%add3A_20, %dma_start3A] : memref<320000x16xf32, #tpu.memory_space<hbm>> -> memref<1000x16xf32, #tpu.memory_space<hbm>>
      %dma_start3A_24 = arith.constant 0 : i32
      %dma_start3A_25 = tpu.memref_slice %arg2[%add3A_20, %dma_start3A_24] : memref<320000x16xf32, #tpu.memory_space<hbm>> -> memref<1000x16xf32, #tpu.memory_space<hbm>>
      tpu.enqueue_dma source(%dma_start3A_25 : memref<1000x16xf32, #tpu.memory_space<hbm>>) target(%arg4 : memref<1000x16xf32, #tpu.memory_space<vmem>>) target_semaphore(%run_scoped3A : memref<!tpu.dma_semaphore, #tpu.memory_space<semaphore_mem>>)
      %dma_wait3A = arith.constant 0 : i32
      %dma_wait3A_26 = tpu.memref_slice %arg2[%add3A_20, %dma_wait3A] : memref<320000x16xf32, #tpu.memory_space<hbm>> -> memref<1000x16xf32, #tpu.memory_space<hbm>>
      %dma_wait3A_27 = arith.constant 0 : i32
      %dma_wait3A_28 = tpu.memref_slice %arg2[%add3A_20, %dma_wait3A_27] : memref<320000x16xf32, #tpu.memory_space<hbm>> -> memref<1000x16xf32, #tpu.memory_space<hbm>>
      tpu.wait_dma2 semaphore(%run_scoped3A : memref<!tpu.dma_semaphore, #tpu.memory_space<semaphore_mem>>) src(%dma_wait3A_28 : memref<1000x16xf32, #tpu.memory_space<hbm>>) dst(%arg4 : memref<1000x16xf32, #tpu.memory_space<vmem>>)
      tpu.yield
    }) : () -> ()
    "tpu.region"() ({
      %run_scoped3A = tpu.sem_alloc : memref<!tpu.dma_semaphore, #tpu.memory_space<semaphore_mem>>
      %dma_start3A = arith.constant 0 : i32
      %dma_start3A_23 = tpu.memref_slice %arg3[%add3A_20, %dma_start3A] : memref<320000x16xf32, #tpu.memory_space<hbm>> -> memref<1000x16xf32, #tpu.memory_space<hbm>>
      %dma_start3A_24 = arith.constant 0 : i32
      %dma_start3A_25 = tpu.memref_slice %arg3[%add3A_20, %dma_start3A_24] : memref<320000x16xf32, #tpu.memory_space<hbm>> -> memref<1000x16xf32, #tpu.memory_space<hbm>>
      tpu.enqueue_dma source(%arg4 : memref<1000x16xf32, #tpu.memory_space<vmem>>) target(%dma_start3A_25 : memref<1000x16xf32, #tpu.memory_space<hbm>>) target_semaphore(%run_scoped3A : memref<!tpu.dma_semaphore, #tpu.memory_space<semaphore_mem>>)
      %dma_wait3A = arith.constant 0 : i32
      %dma_wait3A_26 = tpu.memref_slice %arg3[%add3A_20, %dma_wait3A] : memref<320000x16xf32, #tpu.memory_space<hbm>> -> memref<1000x16xf32, #tpu.memory_space<hbm>>
      %dma_wait3A_27 = arith.constant 0 : i32
      %dma_wait3A_28 = tpu.memref_slice %arg3[%add3A_20, %dma_wait3A_27] : memref<320000x16xf32, #tpu.memory_space<hbm>> -> memref<1000x16xf32, #tpu.memory_space<hbm>>
      tpu.wait_dma2 semaphore(%run_scoped3A : memref<!tpu.dma_semaphore, #tpu.memory_space<semaphore_mem>>) src(%arg4 : memref<1000x16xf32, #tpu.memory_space<vmem>>) dst(%dma_wait3A_28 : memref<1000x16xf32, #tpu.memory_space<hbm>>)
      tpu.yield
    }) : () -> ()
    %add3A_21 = arith.constant 9000 : i32
    %add3A_22 = arith.addi %mul3A_2, %add3A_21 : i32
    "tpu.region"() ({
      %run_scoped3A = tpu.sem_alloc : memref<!tpu.dma_semaphore, #tpu.memory_space<semaphore_mem>>
      %dma_start3A = arith.constant 0 : i32
      %dma_start3A_23 = tpu.memref_slice %arg2[%add3A_22, %dma_start3A] : memref<320000x16xf32, #tpu.memory_space<hbm>> -> memref<1000x16xf32, #tpu.memory_space<hbm>>
      %dma_start3A_24 = arith.constant 0 : i32
      %dma_start3A_25 = tpu.memref_slice %arg2[%add3A_22, %dma_start3A_24] : memref<320000x16xf32, #tpu.memory_space<hbm>> -> memref<1000x16xf32, #tpu.memory_space<hbm>>
      tpu.enqueue_dma source(%dma_start3A_25 : memref<1000x16xf32, #tpu.memory_space<hbm>>) target(%arg4 : memref<1000x16xf32, #tpu.memory_space<vmem>>) target_semaphore(%run_scoped3A : memref<!tpu.dma_semaphore, #tpu.memory_space<semaphore_mem>>)
      %dma_wait3A = arith.constant 0 : i32
      %dma_wait3A_26 = tpu.memref_slice %arg2[%add3A_22, %dma_wait3A] : memref<320000x16xf32, #tpu.memory_space<hbm>> -> memref<1000x16xf32, #tpu.memory_space<hbm>>
      %dma_wait3A_27 = arith.constant 0 : i32
      %dma_wait3A_28 = tpu.memref_slice %arg2[%add3A_22, %dma_wait3A_27] : memref<320000x16xf32, #tpu.memory_space<hbm>> -> memref<1000x16xf32, #tpu.memory_space<hbm>>
      tpu.wait_dma2 semaphore(%run_scoped3A : memref<!tpu.dma_semaphore, #tpu.memory_space<semaphore_mem>>) src(%dma_wait3A_28 : memref<1000x16xf32, #tpu.memory_space<hbm>>) dst(%arg4 : memref<1000x16xf32, #tpu.memory_space<vmem>>)
      tpu.yield
    }) : () -> ()
    "tpu.region"() ({
      %run_scoped3A = tpu.sem_alloc : memref<!tpu.dma_semaphore, #tpu.memory_space<semaphore_mem>>
      %dma_start3A = arith.constant 0 : i32
      %dma_start3A_23 = tpu.memref_slice %arg3[%add3A_22, %dma_start3A] : memref<320000x16xf32, #tpu.memory_space<hbm>> -> memref<1000x16xf32, #tpu.memory_space<hbm>>
      %dma_start3A_24 = arith.constant 0 : i32
      %dma_start3A_25 = tpu.memref_slice %arg3[%add3A_22, %dma_start3A_24] : memref<320000x16xf32, #tpu.memory_space<hbm>> -> memref<1000x16xf32, #tpu.memory_space<hbm>>
      tpu.enqueue_dma source(%arg4 : memref<1000x16xf32, #tpu.memory_space<vmem>>) target(%dma_start3A_25 : memref<1000x16xf32, #tpu.memory_space<hbm>>) target_semaphore(%run_scoped3A : memref<!tpu.dma_semaphore, #tpu.memory_space<semaphore_mem>>)
      %dma_wait3A = arith.constant 0 : i32
      %dma_wait3A_26 = tpu.memref_slice %arg3[%add3A_22, %dma_wait3A] : memref<320000x16xf32, #tpu.memory_space<hbm>> -> memref<1000x16xf32, #tpu.memory_space<hbm>>
      %dma_wait3A_27 = arith.constant 0 : i32
      %dma_wait3A_28 = tpu.memref_slice %arg3[%add3A_22, %dma_wait3A_27] : memref<320000x16xf32, #tpu.memory_space<hbm>> -> memref<1000x16xf32, #tpu.memory_space<hbm>>
      tpu.wait_dma2 semaphore(%run_scoped3A : memref<!tpu.dma_semaphore, #tpu.memory_space<semaphore_mem>>) src(%arg4 : memref<1000x16xf32, #tpu.memory_space<vmem>>) dst(%dma_wait3A_28 : memref<1000x16xf32, #tpu.memory_space<hbm>>)
      tpu.yield
    }) : () -> ()
    return
  }
}

module attributes {stable_mosaic.version = 14 : i64} {
  func.func @_x_tc_body(%arg0: memref<10000x128xf32, #tpu.memory_space<any>>, %arg1: memref<10000x128xf32, #tpu.memory_space<any>>, %arg2: memref<10000x128xf32, #tpu.memory_space<vmem>>, %arg3: memref<!tpu.dma_semaphore, #tpu.memory_space<semaphore_mem>>, %arg4: memref<!tpu.dma_semaphore, #tpu.memory_space<semaphore_mem>>) attributes {dimension_semantics = [], scalar_prefetch = 0 : i64, scratch_operands = 3 : i64, tpu.core_type = #tpu.core_type<tc>} {
    tpu.enqueue_dma source(%arg0 : memref<10000x128xf32, #tpu.memory_space<any>>) target(%arg2 : memref<10000x128xf32, #tpu.memory_space<vmem>>) target_semaphore(%arg3 : memref<!tpu.dma_semaphore, #tpu.memory_space<semaphore_mem>>)
    tpu.wait_dma2 semaphore(%arg3 : memref<!tpu.dma_semaphore, #tpu.memory_space<semaphore_mem>>) src(%arg0 : memref<10000x128xf32, #tpu.memory_space<any>>) dst(%arg2 : memref<10000x128xf32, #tpu.memory_space<vmem>>)
    tpu.enqueue_dma source(%arg2 : memref<10000x128xf32, #tpu.memory_space<vmem>>) target(%arg1 : memref<10000x128xf32, #tpu.memory_space<any>>) target_semaphore(%arg4 : memref<!tpu.dma_semaphore, #tpu.memory_space<semaphore_mem>>)
    tpu.wait_dma2 semaphore(%arg4 : memref<!tpu.dma_semaphore, #tpu.memory_space<semaphore_mem>>) src(%arg2 : memref<10000x128xf32, #tpu.memory_space<vmem>>) dst(%arg1 : memref<10000x128xf32, #tpu.memory_space<any>>)
    return
  }
}

</mosaic_0001>

<sc_bundles>
// kernel: kernel.4.cloned.1.call-start
scs
__scs_entry_jumppad:
0x0: {  	(pc) =	sbr.rel $0x88, $3  }
0x1: {  	(tag) =	ssettag $0x0;
	lr =	simm.s32 $0x1  }
0x2: {  	[smem:$0x3F9F] =	sst lr;
	_ =	strace $0xD0000000  }
0x3: {  	_ = 	snop  }
0x4: {  	_ = 	snop  }
0x5: {  	_ = 	snop  }
0x6: {  	_ = 	snop  }
0x7: {  	_ = 	snop  }
__scs_overlays_trampoline_lowered:
0x8: {  	[smem:$0x3FAE] =	sst s0  }
0x9: {  	[smem:$0x3FAF] =	sst s1  }
0xa: {  	[smem:$0x3FB0] =	sst s2  }
0xb: {  	[smem:$0x3FB1] =	sst s3  }
0xc: {  	[smem:$0x3FB2] =	sst s4  }
0xd: {  	[smem:$0x3FB3] =	sst s5  }
0xe: {  	[smem:$0x3FB4] =	sst s6  }
0xf: {  	[smem:$0x3FB5] =	sst s7  }
0x10: {  	[smem:$0x3FB6] =	sst s8  }
0x11: {  	[smem:$0x3FB7] =	sst s9;
	s0 =	simm.s32 @!p0 $0x0  }
0x12: {  	s1 =	sld [smem:$0x3F9D];
	s0 =	simm.s32 @p0 $0x1  }
0x13: {  	[smem:$0x3FB8] =	sst s0;
	s0 =	simm.s32 @!p1 $0x0  }
0x14: {  	s2 =	sld [smem:$0x3F9C];
	s0 =	simm.s32 @p1 $0x1  }
0x15: {  	[smem:$0x3FB9] =	sst s0;
	s0 =	simm.s32 @!p2 $0x0  }
0x16: {  	s3 =	sld [smem:$0x3FDB];
	s0 =	simm.s32 @p2 $0x1  }
0x17: {  	s4 =	simm.s32 $0x1BF5;
	[smem:$0x3FBB] =	sst s0  }
0x18: {  	s0 =	sld [smem:$0x3F9E];
	_ =	swait.ge [sflag:s4], $0x0  }
0x19: {  	s7 =	sld [smem:$0x3F9F]  }
0x1a: {  	s8 =	sadd.s32 $0xFFFFE003, lr  }
0x1b: {  	s9 =	sadd.s32 $0xFFFFFEF7, lr;
	s5 =	simm.s32 $0xFFFFFFFF;
	p2 =	slt.u32 s8, $0xFFFFF086  }
0x1c: {  	p1 =	slt.u32 s9, $0xF7A;
	s5 =	simm.s32 @!p2 $0x0  }
0x1d: {  	s5 =	simm.s32 @p1 $0x1;
	p0 =	seq.s32 s7, s2  }
0x1e: {  	s7 =	smul.u32 @!p0 $0xF7A, s2;
	p2 =	seq.s32 @!p0 s5, $0x0  }
0x1f: {  	s9 =	smul.u32 $0xF7A, s1;
	s8 =	simm.s32 @!p0 $0x1BF5;
	p2 =	por !p2, p0  }
0x20: {  	[sflag:s8] =	ssyncset.s32 @!p0 $0xFFFFF086;
	s6 =	sadd.s32 @!p0 s3, s7;
	s7 =	simm.s32 @!p0 $0x108  }
0x21: {  	s3 =	sadd.s32 s3, s9;
	s6 =	sadd.s32 @!p0 $0x88, s6;
	s7 =	simm.s32 @p2 $0x1082  }
0x22: {  	[simem:s7], [sflag:s8] =	dma.local @!p0 [hbm:s6], $0xF7A  }
0x23: {  	s9 =	sor.u32 $0xD0000000, s2;
	s6 =	simm.s32 $0x108;
	_ =	swait.ge @!p0 [sflag:s8], $0x0  }
0x24: {  	s3 =	sadd.s32 $0x88, s3;
	s6 =	simm.s32 @!p1 $0x1082;
	[sflag:s4] =	ssyncset.s32 $0xFFFFF086  }
0x25: {  	[simem:s6], [sflag:s4] =	dma.local [hbm:s3], $0xF7A  }
0x26: {  	[smem:$0x3F9F] =	sst s1;
	(tag) =	ssettag s2;
	_ =	strace s9  }
0x27: {  	s1 =	sld [smem:$0x3FAF]  }
0x28: {  	s2 =	sld [smem:$0x3FB0]  }
0x29: {  	s4 =	sld [smem:$0x3FB2]  }
0x2a: {  	p0 =	seq.s32 s5, $0x0;
	s5 =	sld [smem:$0x3FB3]  }
0x2b: {  	s6 =	sld [smem:$0x3FB4]  }
0x2c: {  	s7 =	sld [smem:$0x3FB5]  }
0x2d: {  	s3 =	simm.s32 $0x108;
	s8 =	sld [smem:$0x3FB6]  }
0x2e: {  	s3 =	simm.s32 @!p0 $0x1082;
	s9 =	sld [smem:$0x3FB7]  }
0x2f: {  	lr =	sadd.s32 s0, s3;
	s0 =	sld [smem:$0x3FAE]  }
0x30: {  	s3 =	sld [smem:$0x3FB1]  }
0x31: {  	[smem:$0x3FBA] =	sst s10  }
0x32: {  	s10 =	sld [smem:$0x3FB8];
	_ =	sdelay $0x3  }
0x33: {  	p0 =	seq.s32 s10, $0x1;
	s10 =	sld [smem:$0x3FBA];
	_ =	sdelay $0x3  }
0x34: {  	[smem:$0x3FBA] =	sst s10  }
0x35: {  	s10 =	sld [smem:$0x3FB9];
	_ =	sdelay $0x3  }
0x36: {  	p1 =	seq.s32 s10, $0x1;
	s10 =	sld [smem:$0x3FBA];
	_ =	sdelay $0x3  }
0x37: {  	[smem:$0x3FBA] =	sst s10  }
0x38: {  	s10 =	sld [smem:$0x3FBB]  }
0x39: {  	_ = 	snop;
	(pc) =	sbr.ind lr, $3  }
0x3a: {  	_ = 	snop  }
0x3b: {  	_ = 	snop  }
0x3c: {  	p2 =	seq.s32 s10, $0x1;
	s10 =	sld [smem:$0x3FBA]  }
0x3d: {  	_ =	shalt  }
0x3e: {  	_ =	shalt  }
0x3f: {  	_ =	shalt  }
0x40: {  	_ =	shalt  }
0x41: {  	_ =	shalt  }
0x42: {  	_ =	shalt  }
0x43: {  	_ =	shalt  }
0x44: {  	_ =	shalt  }
0x45: {  	_ =	shalt  }
0x46: {  	_ =	shalt  }
0x47: {  	_ =	shalt  }
0x48: {  	_ =	shalt  }
0x49: {  	_ =	shalt  }
0x4a: {  	_ =	shalt  }
0x4b: {  	_ =	shalt  }
0x4c: {  	_ =	shalt  }
0x4d: {  	_ =	shalt  }
0x4e: {  	_ =	shalt  }
0x4f: {  	_ =	shalt  }
0x50: {  	_ =	shalt  }
0x51: {  	_ =	shalt  }
0x52: {  	_ =	shalt  }
0x53: {  	_ =	shalt  }
0x54: {  	_ =	shalt  }
0x55: {  	_ =	shalt  }
0x56: {  	_ =	shalt  }
0x57: {  	_ =	shalt  }
0x58: {  	_ =	shalt  }
0x59: {  	_ =	shalt  }
0x5a: {  	_ =	shalt  }
0x5b: {  	_ =	shalt  }
0x5c: {  	_ =	shalt  }
0x5d: {  	_ =	shalt  }
0x5e: {  	_ =	shalt  }
0x5f: {  	_ =	shalt  }
0x60: {  	_ =	shalt  }
0x61: {  	_ =	shalt  }
0x62: {  	_ =	shalt  }
0x63: {  	_ =	shalt  }
0x64: {  	_ =	shalt  }
0x65: {  	_ =	shalt  }
0x66: {  	_ =	shalt  }
0x67: {  	_ =	shalt  }
0x68: {  	_ =	shalt  }
0x69: {  	_ =	shalt  }
0x6a: {  	_ =	shalt  }
0x6b: {  	_ =	shalt  }
0x6c: {  	_ =	shalt  }
0x6d: {  	_ =	shalt  }
0x6e: {  	_ =	shalt  }
0x6f: {  	_ =	shalt  }
0x70: {  	_ =	shalt  }
0x71: {  	_ =	shalt  }
0x72: {  	_ =	shalt  }
0x73: {  	_ =	shalt  }
0x74: {  	_ =	shalt  }
0x75: {  	_ =	shalt  }
0x76: {  	_ =	shalt  }
0x77: {  	_ =	shalt  }
0x78: {  	_ =	shalt  }
0x79: {  	_ =	shalt  }
0x7a: {  	_ =	shalt  }
0x7b: {  	_ =	shalt  }
0x7c: {  	_ =	shalt  }
0x7d: {  	_ =	shalt  }
0x7e: {  	_ =	shalt  }
0x7f: {  	_ =	shalt  }
0x80: {  	_ =	shalt  }
0x81: {  	_ =	shalt  }
0x82: {  	_ =	shalt  }
0x83: {  	_ =	shalt  }
0x84: {  	_ =	shalt  }
0x85: {  	_ =	shalt  }
0x86: {  	_ =	shalt  }
0x87: {  	_ =	shalt  }
.Lfunc_end0:
.L_simem_size_0:
called_computation_lowered:
.L_overlay_start_0:
0x88: {  	s2 =	sld [smem:$0x3FD9]  }
0x89: {  	s3 =	sld [smem:$0x3FFE];
	_ =	sdelay $0x1  }
0x8a: {  	s1 =	srdreg.scid  }
0x8b: {  	s0 =	sand.u32 $0x1, s1  }
0x8c: {  	s16 =	sshll.u32 s0, $0xA;
	s2 =	sadd.s32 s3, s2  }
0x8d: {  	s2 =	sadd.s32 s2, s16  }
0x8e: {  	[smem:$0x3FC6] =	sst s2  }
0x8f: {  	_ = 	snop  }
0x90: {  	(tm) =	ssettm $0x1  }
0x91: {  	s17 =	sld [smem:$0x3FFB];
	_ =	sdelay $0x3  }
0x92: {  	_ =	strace s17  }
0x93: {  	s2 =	sld [smem:$0x3FFC];
	_ =	sdelay $0x3  }
0x94: {  	_ =	strace s2  }
0x95: {  	s2 =	sld [smem:$0x3FFD];
	_ =	sdelay $0x3  }
0x96: {  	_ =	strace s2  }
0x97: {  	_ =	strace $0x8FFFFFFF  }
0x98: {  	s18 =	sld [smem:$0x3FDB];
	_ =	sdelay $0x1  }
0x99: {  	s19 =	simm.s32 $_scs_section_size  }
0x9a: {  	s4 =	simm.s32 $_size__tile_overlayer_lowered;
	s5 =	simm.s32 $_tile_overlayer_lowered  }
0x9b: {  	s22 =	simm.s32 $0x1BFF;
	s21 =	sshll.u32 s5, $0x1;
	s2 =	sadd.s32 s19, s18  }
0x9c: {  	s6 =	simm.s32 $0x0;
	s20 =	sshll.u32 s4, $0x1;
	s4 =	sadd.s32 s21, s2  }
0x9d: {  	[timem:s6], [sflag:s22] =	dma.local [hbm:s4], s20  }
0x9e: {  	_ =	swait.ge [sflag:s22], s20  }
0x9f: {  	s3 =	ssub.s32 $0x0, s20;
	[sflag:s22] =	ssyncset.done $0x0  }
0xa0: {  	[sflag:s22] =	ssyncadd.s32 s3;
	_ =	sdelay $0x1  }
0xa1: {  	s23 =	simm.s32 $0x1B8B  }
0xa2: {  	_ =	swait.ge [sflag:s23], $0x1  }
0xa3: {  	[sflag:s23] =	ssyncset.done $0x0  }
0xa4: {  	s25 =	simm.s32 $0x1B8E;
	s24 =	sld [smem:$0x3FFE];
	[sflag:s23] =	ssyncadd.s32 $0xFFFFFFFF  }
0xa5: {  	s26 =	simm.s32 $execute0_lowered;
	[smem:$0x3FD2] =	sst s25  }
0xa6: {  	s4 =	sshll.u32 s26, $0x1;
	_ =	strace $0x80000046;
	[dreg:$0x1] =	wrdreg $0xFFFFFFFF  }
0xa7: {  	s28 =	simm.s32 $_size_execute0_lowered;
	s2 =	sadd.s32 s2, s4;
	[dreg:$0x0] =	wrdreg $0x0  }
0xa8: {  	s4 =	sshll.u32 s28, $0x1;
	[dreg:$0x2] =	wrdreg s2  }
0xa9: {  	[dreg:$0x3] =	wrdreg s4  }
0xaa: {  	[dreg:$0x4] =	wrdreg $0xC0  }
0xab: {  	_ =	task [dreg:s6], $0x5FFFF  }
0xac: {  	[dreg:$0x1] =	wrdreg $0xFFFFFFFF  }
0xad: {  	[dreg:$0x0] =	wrdreg $0x60  }
0xae: {  	[dreg:$0x2] =	wrdreg s24  }
0xaf: {  	[dreg:$0x3] =	wrdreg $0x9  }
0xb0: {  	_ =	task.clear_ibuf [dreg:s6], $0x4FFFF;
	_ =	strace $0x90000046  }
0xb1: {  	s29 =	simm.s32 $0x9;
	_ =	strace $0x80000048  }
0xb2: {  	_ =	swait.ge [sflag:s29], $0x1  }
0xb3: {  	[sflag:s29] =	ssyncadd.s32 $0xFFFFFFFF  }
0xb4: {  	_ =	strace $0x90000048  }
0xb5: {  	_ =	sfence  }
0xb6: {  	s30 =	sld [smem:$0x0];
	_ =	sdelay $0x2  }
0xb7: {  	s31 =	sshll.u32 s1, $0xD;
	s1 =	sshrl.u32 s1, $0x2  }
0xb8: {  	s3 =	sand.u32 $0x4000, s31;
	s1 =	sadd.s32 s1, s30  }
0xb9: {  	s0 =	sor.u32 s3, s0;
	s1 =	sshll.u32 s1, $0x11  }
0xba: {  	s0 =	sor.u32 s1, s0  }
0xbb: {  	s0 =	sadd.s32 $0x8F2B, s0  }
0xbc: {  	[sflag:s0] =	ssyncadd.remote.s32 $0x1  }
0xbd: {  	_ =	sfence.sel $0xFFFF  }
0xbe: {  	[dreg:$0x0] =	wrdreg $0xFFFFFFFF;
	(pc) =	sbr.abs _section_cstart, $3  }
0xbf: {  	[dreg:$0x1] =	wrdreg $0xFFFFFFFF  }
0xc0: {  	_ =	task.clear_ibuf [dreg:s6], $0x2FFFF;
	_ =	strace $0x9FFFFFFF  }
0xc1: {  	(tm) =	ssettm $0x7FFFFFFF  }
tec
execute0_lowered:
.L_overlay_start_1:
0x0: {  	(tag) =	ssettag $0x1  }
0x1: {  	s1 =	srdreg.scid;
	s0 =	stileid.u32  }
0x2: {  	s22 =	sand.u32 $0x1, s1;
	s29 =	sshll.u32 s0, $0x1  }
0x3: {  	s6 =	sor.u32 s22, s29  }
0x4: {  	s5 =	rddreg [dreg:$0x0];
	s2 =	simm.s32 $0x0;
	s7 =	smul.u32 $0x27100, s6  }
0x5: {  	s3 =	simm.s32 $0x1;
	[smem:$0x7FF] =	sst s2;
	s24 =	sadd.s32 $0x600, s5  }
0x6: {  	s1 =	rddreg [dreg:$0x1];
	_ =	strace $0x80000047;
	s4 =	sadd.s32 s24, s7  }
0x7: {  	[tilespmem:s2], [sflag:$0x1] =	stream.linear.gather [hbm4b:s4+s2], $0x1F400, $0x38;
	[tilespmem:$0x1F400] =	vst v63  }
0x8: {  	_ =	swait.ge [sflag:s3], $0x1F400  }
0x9: {  	s23 =	sadd.s32 $0x4E2600, s5;
	[sflag:s3] =	ssyncset.done $0x0  }
0xa: {  	s6 =	smul.u32 $0x138800, s6;
	s5 =	sadd.s32 s23, s7;
	[sflag:s3] =	ssyncadd.s32 $0xFFFE0C00  }
0xb: {  	[hbm4b:s5+s2] =	stream.linear.scatter [tilespmem:s2], [sflag:$0x1], $0x1F400, $0x38;
	[tilespmem:$0x1F400] =	vst v63  }
0xc: {  	s25 =	sshrl.u32 s6, $0x3;
	_ =	swait.ge [sflag:s3], $0x1F400  }
0xd: {  	s30 =	sadd.s32 $0x3E80, s25;
	[sflag:s3] =	ssyncset.done $0x0  }
0xe: {  	s6 =	sadd.s32 s24, s30;
	[sflag:s3] =	ssyncadd.s32 $0xFFFE0C00  }
0xf: {  	[tilespmem:s2], [sflag:$0x1] =	stream.linear.gather [hbm4b:s6+s2], $0x1F400, $0x38;
	[tilespmem:$0x1F400] =	vst v63  }
0x10: {  	_ =	swait.ge [sflag:s3], $0x1F400  }
0x11: {  	[sflag:s3] =	ssyncset.done $0x0  }
0x12: {  	s7 =	sadd.s32 s23, s30;
	[sflag:s3] =	ssyncadd.s32 $0xFFFE0C00  }
0x13: {  	[hbm4b:s7+s2] =	stream.linear.scatter [tilespmem:s2], [sflag:$0x1], $0x1F400, $0x38;
	[tilespmem:$0x1F400] =	vst v63  }
0x14: {  	_ =	swait.ge [sflag:s3], $0x1F400  }
0x15: {  	s9 =	sadd.s32 $0x7D00, s25;
	[sflag:s3] =	ssyncset.done $0x0  }
0x16: {  	s8 =	sadd.s32 s24, s9;
	[sflag:s3] =	ssyncadd.s32 $0xFFFE0C00  }
0x17: {  	[tilespmem:s2], [sflag:$0x1] =	stream.linear.gather [hbm4b:s8+s2], $0x1F400, $0x38;
	[tilespmem:$0x1F400] =	vst v63  }
0x18: {  	_ =	swait.ge [sflag:s3], $0x1F400  }
0x19: {  	[sflag:s3] =	ssyncset.done $0x0  }
0x1a: {  	s9 =	sadd.s32 s23, s9;
	[sflag:s3] =	ssyncadd.s32 $0xFFFE0C00  }
0x1b: {  	[hbm4b:s9+s2] =	stream.linear.scatter [tilespmem:s2], [sflag:$0x1], $0x1F400, $0x38;
	[tilespmem:$0x1F400] =	vst v63  }
0x1c: {  	_ =	swait.ge [sflag:s3], $0x1F400  }
0x1d: {  	s11 =	sadd.s32 $0xBB80, s25;
	[sflag:s3] =	ssyncset.done $0x0  }
0x1e: {  	s10 =	sadd.s32 s24, s11;
	[sflag:s3] =	ssyncadd.s32 $0xFFFE0C00  }
0x1f: {  	[tilespmem:s2], [sflag:$0x1] =	stream.linear.gather [hbm4b:s10+s2], $0x1F400, $0x38;
	[tilespmem:$0x1F400] =	vst v63  }
0x20: {  	_ =	swait.ge [sflag:s3], $0x1F400  }
0x21: {  	[sflag:s3] =	ssyncset.done $0x0  }
0x22: {  	s11 =	sadd.s32 s23, s11;
	[sflag:s3] =	ssyncadd.s32 $0xFFFE0C00  }
0x23: {  	[hbm4b:s11+s2] =	stream.linear.scatter [tilespmem:s2], [sflag:$0x1], $0x1F400, $0x38;
	[tilespmem:$0x1F400] =	vst v63  }
0x24: {  	_ =	swait.ge [sflag:s3], $0x1F400  }
0x25: {  	s13 =	sadd.s32 $0xFA00, s25;
	[sflag:s3] =	ssyncset.done $0x0  }
0x26: {  	s12 =	sadd.s32 s24, s13;
	[sflag:s3] =	ssyncadd.s32 $0xFFFE0C00  }
0x27: {  	[tilespmem:s2], [sflag:$0x1] =	stream.linear.gather [hbm4b:s12+s2], $0x1F400, $0x38;
	[tilespmem:$0x1F400] =	vst v63  }
0x28: {  	_ =	swait.ge [sflag:s3], $0x1F400  }
0x29: {  	[sflag:s3] =	ssyncset.done $0x0  }
0x2a: {  	s13 =	sadd.s32 s23, s13;
	[sflag:s3] =	ssyncadd.s32 $0xFFFE0C00  }
0x2b: {  	[hbm4b:s13+s2] =	stream.linear.scatter [tilespmem:s2], [sflag:$0x1], $0x1F400, $0x38;
	[tilespmem:$0x1F400] =	vst v63  }
0x2c: {  	_ =	swait.ge [sflag:s3], $0x1F400  }
0x2d: {  	s15 =	sadd.s32 $0x13880, s25;
	[sflag:s3] =	ssyncset.done $0x0  }
0x2e: {  	s14 =	sadd.s32 s24, s15;
	[sflag:s3] =	ssyncadd.s32 $0xFFFE0C00  }
0x2f: {  	[tilespmem:s2], [sflag:$0x1] =	stream.linear.gather [hbm4b:s14+s2], $0x1F400, $0x38;
	[tilespmem:$0x1F400] =	vst v63  }
0x30: {  	_ =	swait.ge [sflag:s3], $0x1F400  }
0x31: {  	[sflag:s3] =	ssyncset.done $0x0  }
0x32: {  	s15 =	sadd.s32 s23, s15;
	[sflag:s3] =	ssyncadd.s32 $0xFFFE0C00  }
0x33: {  	[hbm4b:s15+s2] =	stream.linear.scatter [tilespmem:s2], [sflag:$0x1], $0x1F400, $0x38;
	[tilespmem:$0x1F400] =	vst v63  }
0x34: {  	_ =	swait.ge [sflag:s3], $0x1F400  }
0x35: {  	s17 =	sadd.s32 $0x17700, s25;
	[sflag:s3] =	ssyncset.done $0x0  }
0x36: {  	s16 =	sadd.s32 s24, s17;
	[sflag:s3] =	ssyncadd.s32 $0xFFFE0C00  }
0x37: {  	[tilespmem:s2], [sflag:$0x1] =	stream.linear.gather [hbm4b:s16+s2], $0x1F400, $0x38;
	[tilespmem:$0x1F400] =	vst v63  }
0x38: {  	_ =	swait.ge [sflag:s3], $0x1F400  }
0x39: {  	[sflag:s3] =	ssyncset.done $0x0  }
0x3a: {  	s17 =	sadd.s32 s23, s17;
	[sflag:s3] =	ssyncadd.s32 $0xFFFE0C00  }
0x3b: {  	[hbm4b:s17+s2] =	stream.linear.scatter [tilespmem:s2], [sflag:$0x1], $0x1F400, $0x38;
	[tilespmem:$0x1F400] =	vst v63  }
0x3c: {  	_ =	swait.ge [sflag:s3], $0x1F400  }
0x3d: {  	s19 =	sadd.s32 $0x1B580, s25;
	[sflag:s3] =	ssyncset.done $0x0  }
0x3e: {  	s18 =	sadd.s32 s24, s19;
	[sflag:s3] =	ssyncadd.s32 $0xFFFE0C00  }
0x3f: {  	[tilespmem:s2], [sflag:$0x1] =	stream.linear.gather [hbm4b:s18+s2], $0x1F400, $0x38;
	[tilespmem:$0x1F400] =	vst v63  }
0x40: {  	_ =	swait.ge [sflag:s3], $0x1F400  }
0x41: {  	[sflag:s3] =	ssyncset.done $0x0  }
0x42: {  	s19 =	sadd.s32 s23, s19;
	[sflag:s3] =	ssyncadd.s32 $0xFFFE0C00  }
0x43: {  	[hbm4b:s19+s2] =	stream.linear.scatter [tilespmem:s2], [sflag:$0x1], $0x1F400, $0x38;
	[tilespmem:$0x1F400] =	vst v63  }
0x44: {  	_ =	swait.ge [sflag:s3], $0x1F400  }
0x45: {  	s21 =	sadd.s32 $0x1F400, s25;
	[sflag:s3] =	ssyncset.done $0x0  }
0x46: {  	s20 =	sadd.s32 s24, s21;
	[sflag:s3] =	ssyncadd.s32 $0xFFFE0C00  }
0x47: {  	[tilespmem:s2], [sflag:$0x1] =	stream.linear.gather [hbm4b:s20+s2], $0x1F400, $0x38;
	[tilespmem:$0x1F400] =	vst v63  }
0x48: {  	_ =	swait.ge [sflag:s3], $0x1F400  }
0x49: {  	[sflag:s3] =	ssyncset.done $0x0  }
0x4a: {  	s26 =	ssub.s32 $0x2, s22;
	s21 =	sadd.s32 s23, s21;
	[sflag:s3] =	ssyncadd.s32 $0xFFFE0C00  }
0x4b: {  	[hbm4b:s21+s2] =	stream.linear.scatter [tilespmem:s2], [sflag:$0x1], $0x1F400, $0x38;
	[tilespmem:$0x1F400] =	vst v63  }
0x4c: {  	s31 =	sshrl.u32 s26, $0x1;
	s25 =	sadd.s32 $0x23280, s25;
	_ =	swait.ge [sflag:s3], $0x1F400  }
0x4d: {  	s22 =	sadd.s32 s24, s25;
	s24 =	ssub.s32 s26, s31;
	[sflag:s3] =	ssyncset.done $0x0  }
0x4e: {  	s24 =	smax.u32 s24, $0x1;
	[sflag:s3] =	ssyncadd.s32 $0xFFFE0C00  }
0x4f: {  	[tilespmem:s2], [sflag:$0x1] =	stream.linear.gather [hbm4b:s22+s2], $0x1F400, $0x38;
	[tilespmem:$0x1F400] =	vst v63  }
0x50: {  	p0 =	sne.s32 s24, $0x1;
	_ =	swait.ge [sflag:s3], $0x1F400  }
.Ltmp0:
0x51: {  	[sflag:s3] =	ssyncset.done $0x0;
	(pc) =	sbr.rel @!p0 .LBB2_2-.Ltmp0, $4  }
0x52: {  	s23 =	sadd.s32 s23, s25;
	[sflag:s3] =	ssyncadd.s32 $0xFFFE0C00  }
0x53: {  	[hbm4b:s23+s2] =	stream.linear.scatter [tilespmem:s2], [sflag:$0x1], $0x1F400, $0x38;
	[tilespmem:$0x1F400] =	vst v63  }
0x54: {  	_ =	swait.ge [sflag:s3], $0x1F400  }
0x55: {  	s24 =	sadd.s32 $0xFFFFFFFF, s24;
	[sflag:s3] =	ssyncset.done $0x0  }
.LBB2_1:
0x56: {  	p0 =	sne.s32 s24, $0x1;
	s24 =	sadd.s32 $0xFFFFFFFF, s24;
	[sflag:s3] =	ssyncadd.s32 $0xFFFE0C00  }
0x57: {  	[tilespmem:s2], [sflag:$0x1] =	stream.linear.gather [hbm4b:s4+s2], $0x1F400, $0x38;
	[tilespmem:$0x1F400] =	vst v63  }
0x58: {  	_ =	swait.ge [sflag:s3], $0x1F400  }
0x59: {  	[sflag:s3] =	ssyncset.done $0x0  }
0x5a: {  	[sflag:s3] =	ssyncadd.s32 $0xFFFE0C00  }
0x5b: {  	[hbm4b:s5+s2] =	stream.linear.scatter [tilespmem:s2], [sflag:$0x1], $0x1F400, $0x38;
	[tilespmem:$0x1F400] =	vst v63  }
0x5c: {  	_ =	swait.ge [sflag:s3], $0x1F400  }
0x5d: {  	[sflag:s3] =	ssyncset.done $0x0  }
0x5e: {  	[sflag:s3] =	ssyncadd.s32 $0xFFFE0C00  }
0x5f: {  	[tilespmem:s2], [sflag:$0x1] =	stream.linear.gather [hbm4b:s6+s2], $0x1F400, $0x38;
	[tilespmem:$0x1F400] =	vst v63  }
0x60: {  	_ =	swait.ge [sflag:s3], $0x1F400  }
0x61: {  	[sflag:s3] =	ssyncset.done $0x0  }
0x62: {  	[sflag:s3] =	ssyncadd.s32 $0xFFFE0C00  }
0x63: {  	[hbm4b:s7+s2] =	stream.linear.scatter [tilespmem:s2], [sflag:$0x1], $0x1F400, $0x38;
	[tilespmem:$0x1F400] =	vst v63  }
0x64: {  	_ =	swait.ge [sflag:s3], $0x1F400  }
0x65: {  	[sflag:s3] =	ssyncset.done $0x0  }
0x66: {  	[sflag:s3] =	ssyncadd.s32 $0xFFFE0C00  }
0x67: {  	[tilespmem:s2], [sflag:$0x1] =	stream.linear.gather [hbm4b:s8+s2], $0x1F400, $0x38;
	[tilespmem:$0x1F400] =	vst v63  }
0x68: {  	_ =	swait.ge [sflag:s3], $0x1F400  }
0x69: {  	[sflag:s3] =	ssyncset.done $0x0  }
0x6a: {  	[sflag:s3] =	ssyncadd.s32 $0xFFFE0C00  }
0x6b: {  	[hbm4b:s9+s2] =	stream.linear.scatter [tilespmem:s2], [sflag:$0x1], $0x1F400, $0x38;
	[tilespmem:$0x1F400] =	vst v63  }
0x6c: {  	_ =	swait.ge [sflag:s3], $0x1F400  }
0x6d: {  	[sflag:s3] =	ssyncset.done $0x0  }
0x6e: {  	[sflag:s3] =	ssyncadd.s32 $0xFFFE0C00  }
0x6f: {  	[tilespmem:s2], [sflag:$0x1] =	stream.linear.gather [hbm4b:s10+s2], $0x1F400, $0x38;
	[tilespmem:$0x1F400] =	vst v63  }
0x70: {  	_ =	swait.ge [sflag:s3], $0x1F400  }
0x71: {  	[sflag:s3] =	ssyncset.done $0x0  }
0x72: {  	[sflag:s3] =	ssyncadd.s32 $0xFFFE0C00  }
0x73: {  	[hbm4b:s11+s2] =	stream.linear.scatter [tilespmem:s2], [sflag:$0x1], $0x1F400, $0x38;
	[tilespmem:$0x1F400] =	vst v63  }
0x74: {  	_ =	swait.ge [sflag:s3], $0x1F400  }
0x75: {  	[sflag:s3] =	ssyncset.done $0x0  }
0x76: {  	[sflag:s3] =	ssyncadd.s32 $0xFFFE0C00  }
0x77: {  	[tilespmem:s2], [sflag:$0x1] =	stream.linear.gather [hbm4b:s12+s2], $0x1F400, $0x38;
	[tilespmem:$0x1F400] =	vst v63  }
0x78: {  	_ =	swait.ge [sflag:s3], $0x1F400  }
0x79: {  	[sflag:s3] =	ssyncset.done $0x0  }
0x7a: {  	[sflag:s3] =	ssyncadd.s32 $0xFFFE0C00  }
0x7b: {  	[hbm4b:s13+s2] =	stream.linear.scatter [tilespmem:s2], [sflag:$0x1], $0x1F400, $0x38;
	[tilespmem:$0x1F400] =	vst v63  }
0x7c: {  	_ =	swait.ge [sflag:s3], $0x1F400  }
0x7d: {  	[sflag:s3] =	ssyncset.done $0x0  }
0x7e: {  	[sflag:s3] =	ssyncadd.s32 $0xFFFE0C00  }
0x7f: {  	[tilespmem:s2], [sflag:$0x1] =	stream.linear.gather [hbm4b:s14+s2], $0x1F400, $0x38;
	[tilespmem:$0x1F400] =	vst v63  }
0x80: {  	_ =	swait.ge [sflag:s3], $0x1F400  }
0x81: {  	[sflag:s3] =	ssyncset.done $0x0  }
0x82: {  	[sflag:s3] =	ssyncadd.s32 $0xFFFE0C00  }
0x83: {  	[hbm4b:s15+s2] =	stream.linear.scatter [tilespmem:s2], [sflag:$0x1], $0x1F400, $0x38;
	[tilespmem:$0x1F400] =	vst v63  }
0x84: {  	_ =	swait.ge [sflag:s3], $0x1F400  }
0x85: {  	[sflag:s3] =	ssyncset.done $0x0  }
0x86: {  	[sflag:s3] =	ssyncadd.s32 $0xFFFE0C00  }
0x87: {  	[tilespmem:s2], [sflag:$0x1] =	stream.linear.gather [hbm4b:s16+s2], $0x1F400, $0x38;
	[tilespmem:$0x1F400] =	vst v63  }
0x88: {  	_ =	swait.ge [sflag:s3], $0x1F400  }
0x89: {  	[sflag:s3] =	ssyncset.done $0x0  }
0x8a: {  	[sflag:s3] =	ssyncadd.s32 $0xFFFE0C00  }
0x8b: {  	[hbm4b:s17+s2] =	stream.linear.scatter [tilespmem:s2], [sflag:$0x1], $0x1F400, $0x38;
	[tilespmem:$0x1F400] =	vst v63  }
0x8c: {  	_ =	swait.ge [sflag:s3], $0x1F400  }
0x8d: {  	[sflag:s3] =	ssyncset.done $0x0  }
0x8e: {  	[sflag:s3] =	ssyncadd.s32 $0xFFFE0C00  }
0x8f: {  	[tilespmem:s2], [sflag:$0x1] =	stream.linear.gather [hbm4b:s18+s2], $0x1F400, $0x38;
	[tilespmem:$0x1F400] =	vst v63  }
0x90: {  	_ =	swait.ge [sflag:s3], $0x1F400  }
0x91: {  	[sflag:s3] =	ssyncset.done $0x0  }
0x92: {  	[sflag:s3] =	ssyncadd.s32 $0xFFFE0C00  }
0x93: {  	[hbm4b:s19+s2] =	stream.linear.scatter [tilespmem:s2], [sflag:$0x1], $0x1F400, $0x38;
	[tilespmem:$0x1F400] =	vst v63  }
0x94: {  	_ =	swait.ge [sflag:s3], $0x1F400  }
0x95: {  	[sflag:s3] =	ssyncset.done $0x0  }
0x96: {  	[sflag:s3] =	ssyncadd.s32 $0xFFFE0C00  }
0x97: {  	[tilespmem:s2], [sflag:$0x1] =	stream.linear.gather [hbm4b:s20+s2], $0x1F400, $0x38;
	[tilespmem:$0x1F400] =	vst v63  }
0x98: {  	_ =	swait.ge [sflag:s3], $0x1F400  }
0x99: {  	[sflag:s3] =	ssyncset.done $0x0  }
0x9a: {  	[sflag:s3] =	ssyncadd.s32 $0xFFFE0C00  }
0x9b: {  	[hbm4b:s21+s2] =	stream.linear.scatter [tilespmem:s2], [sflag:$0x1], $0x1F400, $0x38;
	[tilespmem:$0x1F400] =	vst v63  }
0x9c: {  	_ =	swait.ge [sflag:s3], $0x1F400  }
0x9d: {  	[sflag:s3] =	ssyncset.done $0x0  }
0x9e: {  	[sflag:s3] =	ssyncadd.s32 $0xFFFE0C00  }
0x9f: {  	[tilespmem:s2], [sflag:$0x1] =	stream.linear.gather [hbm4b:s22+s2], $0x1F400, $0x38;
	[tilespmem:$0x1F400] =	vst v63  }
0xa0: {  	_ =	swait.ge [sflag:s3], $0x1F400  }
.Ltmp1:
0xa1: {  	[sflag:s3] =	ssyncset.done $0x0;
	(pc) =	sbr.rel @p0 .LBB2_1-.Ltmp1, $4  }
0xa2: {  	[sflag:s3] =	ssyncadd.s32 $0xFFFE0C00  }
0xa3: {  	[hbm4b:s23+s2] =	stream.linear.scatter [tilespmem:s2], [sflag:$0x1], $0x1F400, $0x38;
	[tilespmem:$0x1F400] =	vst v63  }
0xa4: {  	_ =	swait.ge [sflag:s3], $0x1F400  }
0xa5: {  	[sflag:s3] =	ssyncset.done $0x0  }
.LBB2_2:
0xa6: {  	[sflag:s3] =	ssyncadd.s32 $0xFFFE0C00  }
0xa7: {  	_ =	sfence.sel $0x180000  }
0xa8: {  	[bflag:$0x0] =	sbarrier.arrive $0xFFFF  }
0xa9: {  	p0 =	sne.s32 s0, $0x0;
	_ =	strace $0x90000047  }
0xaa: {  	s0 =	sadd.s32 @!p0 $0x100000, s1;
	[bflag:$0x2] =	sbarrier.arrive $0xFFFF  }
0xab: {  	[sflag:s0] =	ssyncadd.tile.s32 @!p0 $0x1;
	_ =	shalt  }
.Lfunc_end2:
_tile_overlayer_lowered:
.L_overlay_start_2:
0xac: {  	(tag) =	ssettag $0x2  }
0xad: {  	s0 =	rddreg [dreg:$0x0];
	s2 =	stileid.u32  }
0xae: {  	s1 =	rddreg [dreg:$0x1];
	p0 =	sne.s32 s2, $0x0  }
0xaf: {  	s3 =	rddreg [dreg:$0x2];
	[bflag:$0x3] =	sbarrier.arrive $0xFFFF;
	s2 =	simm.s32 @!p0 $0x1C01  }
0xb0: {  	[timem:s3], [sflag:s2] =	dma.local @!p0 [hbm:s0], s1  }
0xb1: {  	s0 =	simm.s32 @!p0 $0x1  }
0xb2: {  	_ =	swait.ge @!p0 [sflag:s0], s1  }
0xb3: {  	s1 =	ssub.s32 @!p0 $0x0, s1;
	[sflag:s0] =	ssyncset.done @!p0 $0x0  }
0xb4: {  	[sflag:s0] =	ssyncadd.s32 @!p0 s1  }
0xb5: {  	[bflag:$0x3] =	sbarrier.arrive $0xFFFF  }
0xb6: {  	_ =	shalt  }

</sc_bundles>
